<compile_context>
chip_gen: v7x
topology: tpu7x:2x2x1
jax: 0.10.2.dev20260603
libtpu: 0.0.44.dev20260713+nightly
codegen_flags: <defaults>
</compile_context>

<pallas_src>
import functools

import jax
import jax.numpy as jnp
from jax import lax
from jax.experimental import pallas as pl
from jax.experimental.pallas import tpu as pltpu
from jax.experimental.pallas import tpu_sc as plsc

_NUM_ATOMS = 262144
_TABLE_ROWS = 128
_OUT_DIM = 128

_info = plsc.get_sparse_core_info()
_NC = _info.num_cores
_NS = _info.num_subcores
_NW = _NC * _NS
_B_PER_W = _NUM_ATOMS // _NW
_CHUNK = 128
_N_CHUNKS = _B_PER_W // _CHUNK
_G = 2
_SG = _G * _CHUNK
_N_SG = _B_PER_W // _SG


def _project_body(fm_ref, w_ref, b_ref, out_ref):
    out_ref[...] = lax.dot_general(
        fm_ref[...], w_ref[...], (((1,), (1,)), ((), ())),
        preferred_element_type=jnp.float32) + b_ref[...]


def _project(feature_map, W, b):
    return pl.pallas_call(
        _project_body,
        out_shape=jax.ShapeDtypeStruct((_TABLE_ROWS, _OUT_DIM), jnp.float32),
    )(feature_map, W, b.reshape(1, _OUT_DIM))


_mesh = plsc.VectorSubcoreMesh(core_axis_name="c", subcore_axis_name="s")


@functools.partial(
    pl.kernel,
    mesh=_mesh,
    out_type=jax.ShapeDtypeStruct((_NUM_ATOMS, _OUT_DIM), jnp.float32),
    scratch_types=[
        pltpu.VMEM_SHARED((_TABLE_ROWS, _OUT_DIM), jnp.float32),
        pltpu.VMEM((_N_CHUNKS, _CHUNK), jnp.int32),
        pltpu.VMEM((2, _SG, _OUT_DIM), jnp.float32),
        pltpu.SemaphoreType.DMA,
        pltpu.SemaphoreType.DMA,
        pltpu.SemaphoreType.DMA,
        pltpu.SemaphoreType.DMA,
    ],
)
def _gather(table_hbm, idx_hbm, out_hbm, table_s, idx_v, rows_v, g0, g1, w0, w1):
    sid = lax.axis_index("s")
    wid = sid * _NC + lax.axis_index("c")
    base = wid * _B_PER_W
    gsems = (g0, g1)
    wsems = (w0, w1)

    idx_copy = pltpu.async_copy(idx_hbm.at[wid], idx_v, w0)

    @pl.when(sid == 0)
    def _stage():
        pltpu.sync_copy(table_hbm, table_s)

    plsc.subcore_barrier()
    idx_copy.wait()

    def group(p, q, wait_write):
        if wait_write:
            pltpu.make_async_copy(
                rows_v.at[q], out_hbm.at[pl.ds(base, _SG)], wsems[q]).wait()
        handles = [
            pltpu.async_copy(
                table_s.at[idx_v.at[p * _G + k]],
                rows_v.at[q, pl.ds(k * _CHUNK, _CHUNK)],
                gsems[q])
            for k in range(_G)
        ]
        for h in handles:
            h.wait()
        pltpu.async_copy(
            rows_v.at[q], out_hbm.at[pl.ds(base + p * _SG, _SG)], wsems[q])

    group(0, 0, wait_write=False)
    group(1, 1, wait_write=False)

    def body(gg, carry):
        group(2 * gg, 0, wait_write=True)
        group(2 * gg + 1, 1, wait_write=True)
        return carry

    lax.fori_loop(1, _N_SG // 2, body, 0)

    for q in range(2):
        pltpu.make_async_copy(
            rows_v.at[q], out_hbm.at[pl.ds(base, _SG)], wsems[q]).wait()


def kernel(src, feature_map, W, b):
    proj = _project(feature_map, W, b)
    idx = src.astype(jnp.int32).reshape(_NW, _N_CHUNKS, _CHUNK)
    return _gather(proj, idx)

# --- scband reference (transcript-rebuilt; emitter-appended) ---
"""Pipeline reference for scband-atom-feature-encoder-23742579212694 (READ-ONLY COPY).

The authoritative reference and input builder live on the scoring server;
editing this copy changes nothing except your own understanding.
"""

import jax, jax.numpy as jnp
import numpy as np

NUM_ATOMS = 262144
TABLE_ROWS = 128  # 1 pad row + 118 elements + 9 pad rows, feature columns padded to 128 rows total
INPUT_DIM = 4
OUT_DIM = 128


def setup_inputs(seed: int = 0) -> dict:
    key = jax.random.key(seed)
    k1, k2, k3, k4 = jax.random.split(key, 4)
    # src: atomic numbers (1..118); randint in [0, 118) is in-range for the 128-row table
    src = jax.random.randint(k1, (NUM_ATOMS,), 0, 118, dtype=jnp.int64)
    # feature_map stands in for PeriodicTable.atom_feature_map():
    # rows [mass, radius, electronegativity, ionization_energy] normalized, padded with
    # one zero row on top and nine zero rows at the bottom -> [128, 4]
    raw = jax.random.normal(k2, (118, INPUT_DIM), dtype=jnp.float32)
    feature_map = jnp.pad(raw, ((1, 9), (0, 0)), mode='constant', constant_values=0.0)
    # nn.Linear(input_dim=4, out_dim=128) parameters
    bound = 1.0 / np.sqrt(INPUT_DIM)
    W = jax.random.uniform(k3, (OUT_DIM, INPUT_DIM), dtype=jnp.float32, minval=-bound, maxval=bound)
    b = jax.random.uniform(k4, (OUT_DIM,), dtype=jnp.float32, minval=-bound, maxval=bound)
    return {"src": src, "feature_map": feature_map, "W": W, "b": b}


def reference(src, feature_map, W, b):
    # atom_fea = feature_map[src].to(torch.float32)
    atom_fea = jnp.take(feature_map, src, axis=0).astype(jnp.float32)
    # atom_fea = self.linear1(atom_fea)
    out = atom_fea @ W.T + b
    return out

if __name__ == "__main__":
    import jax
    _d = setup_inputs()
    print(jax.jit(kernel)(*tuple(_d.values())))

</pallas_src>

<mosaic_0001>
#map = affine_map<(d0, d1) -> (0, 0)>
#map1 = affine_map<(d0, d1) -> (0, 0, 0)>
module attributes {stable_mosaic.version = 14 : i64} {
  func.func @_gather(%arg0: i32, %arg1: i32, %arg2: memref<128x128xf32, #tpu.memory_space<hbm>>, %arg3: memref<32x64x128xi32, #tpu.memory_space<hbm>>, %arg4: memref<262144x128xf32, #tpu.memory_space<hbm>>, %arg5: memref<128x128xf32, #tpu.memory_space<vmem_shared>>, %arg6: memref<64x128xi32, #tpu.memory_space<vmem>>, %arg7: memref<2x256x128xf32, #tpu.memory_space<vmem>>, %arg8: memref<!tpu.dma_semaphore, #tpu.memory_space<semaphore_mem>>, %arg9: memref<!tpu.dma_semaphore, #tpu.memory_space<semaphore_mem>>, %arg10: memref<!tpu.dma_semaphore, #tpu.memory_space<semaphore_mem>>, %arg11: memref<!tpu.dma_semaphore, #tpu.memory_space<semaphore_mem>>) attributes {dimension_semantics = [#tpu.dimension_semantics<core_parallel>, #tpu.dimension_semantics<subcore_parallel>], iteration_bounds = array<i64: 2, 16>, scalar_prefetch = 0 : i64, scratch_operands = 7 : i64, tpu.core_type = #tpu.core_type<sc_vector_subcore>, window_params = [{transform_indices = #map}, {transform_indices = #map1}, {transform_indices = #map}]} {
    %mul3A = arith.constant 2 : i32
    %mul3A_0 = arith.muli %arg1, %mul3A : i32
    %add3A = arith.addi %mul3A_0, %arg0 : i32
    %mul3A_1 = arith.constant 8192 : i32
    %mul3A_2 = arith.muli %add3A, %mul3A_1 : i32
    %dma_start3A = arith.constant 0 : i32
    %dma_start3A_3 = arith.constant 0 : i32
    %dma_start3A_4 = tpu.memref_slice %arg3[%add3A, %dma_start3A, %dma_start3A_3] : memref<32x64x128xi32, #tpu.memory_space<hbm>> -> memref<1x64x128xi32, #tpu.memory_space<hbm>>
    %dma_start3A_5 = tpu.memref_squeeze %dma_start3A_4 : memref<1x64x128xi32, #tpu.memory_space<hbm>> -> memref<64x128xi32, #tpu.memory_space<hbm>>
    %dma_start3A_6 = arith.constant 0 : i32
    %dma_start3A_7 = arith.constant 0 : i32
    %dma_start3A_8 = tpu.memref_slice %arg3[%add3A, %dma_start3A_6, %dma_start3A_7] : memref<32x64x128xi32, #tpu.memory_space<hbm>> -> memref<1x64x128xi32, #tpu.memory_space<hbm>>
    %dma_start3A_9 = tpu.memref_squeeze %dma_start3A_8 : memref<1x64x128xi32, #tpu.memory_space<hbm>> -> memref<64x128xi32, #tpu.memory_space<hbm>>
    tpu.enqueue_dma source(%dma_start3A_9 : memref<64x128xi32, #tpu.memory_space<hbm>>) target(%arg6 : memref<64x128xi32, #tpu.memory_space<vmem>>) target_semaphore(%arg10 : memref<!tpu.dma_semaphore, #tpu.memory_space<semaphore_mem>>)
    %eq3A = arith.constant 0 : i32
    %eq3A_10 = arith.cmpi eq, %arg1, %eq3A : i32
    %convert_element_type3A = arith.extui %eq3A_10 : i1 to i32
    %cond3A = arith.constant 0 : i32
    %cond3A_11 = arith.cmpi ne, %convert_element_type3A, %cond3A : i32
    scf.if %cond3A_11 {
      "tpu.region"() ({
        %run_scoped3A = tpu.sem_alloc : memref<!tpu.dma_semaphore, #tpu.memory_space<semaphore_mem>>
        tpu.enqueue_dma source(%arg2 : memref<128x128xf32, #tpu.memory_space<hbm>>) target(%arg5 : memref<128x128xf32, #tpu.memory_space<vmem_shared>>) target_semaphore(%run_scoped3A : memref<!tpu.dma_semaphore, #tpu.memory_space<semaphore_mem>>)
        tpu.wait_dma2 semaphore(%run_scoped3A : memref<!tpu.dma_semaphore, #tpu.memory_space<semaphore_mem>>) src(%arg2 : memref<128x128xf32, #tpu.memory_space<hbm>>) dst(%arg5 : memref<128x128xf32, #tpu.memory_space<vmem_shared>>)
        tpu.yield
      }) : () -> ()
    } else {
    }
    %barrier3A = arith.constant 0 : index
    tpu.barrier barrier_id(%barrier3A)
    %dma_wait3A = arith.constant 0 : i32
    %dma_wait3A_12 = arith.constant 0 : i32
    %dma_wait3A_13 = tpu.memref_slice %arg3[%add3A, %dma_wait3A, %dma_wait3A_12] : memref<32x64x128xi32, #tpu.memory_space<hbm>> -> memref<1x64x128xi32, #tpu.memory_space<hbm>>
    %dma_wait3A_14 = tpu.memref_squeeze %dma_wait3A_13 : memref<1x64x128xi32, #tpu.memory_space<hbm>> -> memref<64x128xi32, #tpu.memory_space<hbm>>
    %dma_wait3A_15 = arith.constant 0 : i32
    %dma_wait3A_16 = arith.constant 0 : i32
    %dma_wait3A_17 = tpu.memref_slice %arg3[%add3A, %dma_wait3A_15, %dma_wait3A_16] : memref<32x64x128xi32, #tpu.memory_space<hbm>> -> memref<1x64x128xi32, #tpu.memory_space<hbm>>
    %dma_wait3A_18 = tpu.memref_squeeze %dma_wait3A_17 : memref<1x64x128xi32, #tpu.memory_space<hbm>> -> memref<64x128xi32, #tpu.memory_space<hbm>>
    tpu.wait_dma2 semaphore(%arg10 : memref<!tpu.dma_semaphore, #tpu.memory_space<semaphore_mem>>) src(%dma_wait3A_18 : memref<64x128xi32, #tpu.memory_space<hbm>>) dst(%arg6 : memref<64x128xi32, #tpu.memory_space<vmem>>)
    %dma_start3A_19 = arith.constant 0 : i32
    %dma_start3A_20 = arith.constant 0 : i32
    %dma_start3A_21 = arith.constant 0 : i32
    %dma_start3A_22 = arith.constant 0 : i32
    %dma_start3A_23 = tpu.memref_slice %arg7[%dma_start3A_20, %dma_start3A_21, %dma_start3A_22] : memref<2x256x128xf32, #tpu.memory_space<vmem>> -> memref<1x128x128xf32, #tpu.memory_space<vmem>>
    %dma_start3A_24 = tpu.memref_squeeze %dma_start3A_23 : memref<1x128x128xf32, #tpu.memory_space<vmem>> -> memref<128x128xf32, #tpu.memory_space<vmem>>
    %dma_start3A_25 = arith.constant 0 : i32
    %dma_start3A_26 = tpu.memref_slice %arg6[%dma_start3A_19, %dma_start3A_25] : memref<64x128xi32, #tpu.memory_space<vmem>> -> memref<1x128xi32, #tpu.memory_space<vmem>>
    %dma_start3A_27 = tpu.memref_squeeze %dma_start3A_26 : memref<1x128xi32, #tpu.memory_space<vmem>> -> memref<128xi32, #tpu.memory_space<vmem>>
    %dma_start3A_28 = arith.constant 0 : i32
    %dma_start3A_29 = arith.constant 0 : i32
    %dma_start3A_30 = tpu.memref_slice %arg5[%dma_start3A_28, %dma_start3A_29] : memref<128x128xf32, #tpu.memory_space<vmem_shared>> -> memref<128x128xf32, #tpu.memory_space<vmem_shared>>
    tpu.enqueue_indirect_dma source(%dma_start3A_30 : memref<128x128xf32, #tpu.memory_space<vmem_shared>>) target(%dma_start3A_24 : memref<128x128xf32, #tpu.memory_space<vmem>>) offsets(%dma_start3A_27 : memref<128xi32, #tpu.memory_space<vmem>>) semaphore(%arg8 : memref<!tpu.dma_semaphore, #tpu.memory_space<semaphore_mem>>)
    %dma_start3A_31 = arith.constant 1 : i32
    %dma_start3A_32 = arith.constant 0 : i32
    %dma_start3A_33 = arith.constant 128 : i32
    %dma_start3A_34 = arith.constant 0 : i32
    %dma_start3A_35 = tpu.memref_slice %arg7[%dma_start3A_32, %dma_start3A_33, %dma_start3A_34] : memref<2x256x128xf32, #tpu.memory_space<vmem>> -> memref<1x128x128xf32, #tpu.memory_space<vmem>>
    %dma_start3A_36 = tpu.memref_squeeze %dma_start3A_35 : memref<1x128x128xf32, #tpu.memory_space<vmem>> -> memref<128x128xf32, #tpu.memory_space<vmem>>
    %dma_start3A_37 = arith.constant 0 : i32
    %dma_start3A_38 = tpu.memref_slice %arg6[%dma_start3A_31, %dma_start3A_37] : memref<64x128xi32, #tpu.memory_space<vmem>> -> memref<1x128xi32, #tpu.memory_space<vmem>>
    %dma_start3A_39 = tpu.memref_squeeze %dma_start3A_38 : memref<1x128xi32, #tpu.memory_space<vmem>> -> memref<128xi32, #tpu.memory_space<vmem>>
    %dma_start3A_40 = arith.constant 0 : i32
    %dma_start3A_41 = arith.constant 0 : i32
    %dma_start3A_42 = tpu.memref_slice %arg5[%dma_start3A_40, %dma_start3A_41] : memref<128x128xf32, #tpu.memory_space<vmem_shared>> -> memref<128x128xf32, #tpu.memory_space<vmem_shared>>
    tpu.enqueue_indirect_dma source(%dma_start3A_42 : memref<128x128xf32, #tpu.memory_space<vmem_shared>>) target(%dma_start3A_36 : memref<128x128xf32, #tpu.memory_space<vmem>>) offsets(%dma_start3A_39 : memref<128xi32, #tpu.memory_space<vmem>>) semaphore(%arg8 : memref<!tpu.dma_semaphore, #tpu.memory_space<semaphore_mem>>)
    %dma_wait3A_43 = arith.constant 0 : i32
    %dma_wait3A_44 = arith.constant 0 : i32
    %dma_wait3A_45 = arith.constant 0 : i32
    %dma_wait3A_46 = arith.constant 0 : i32
    %dma_wait3A_47 = tpu.memref_slice %arg7[%dma_wait3A_44, %dma_wait3A_45, %dma_wait3A_46] : memref<2x256x128xf32, #tpu.memory_space<vmem>> -> memref<1x128x128xf32, #tpu.memory_space<vmem>>
    %dma_wait3A_48 = tpu.memref_squeeze %dma_wait3A_47 : memref<1x128x128xf32, #tpu.memory_space<vmem>> -> memref<128x128xf32, #tpu.memory_space<vmem>>
    %dma_wait3A_49 = arith.constant 0 : i32
    %dma_wait3A_50 = tpu.memref_slice %arg6[%dma_wait3A_43, %dma_wait3A_49] : memref<64x128xi32, #tpu.memory_space<vmem>> -> memref<1x128xi32, #tpu.memory_space<vmem>>
    %dma_wait3A_51 = tpu.memref_squeeze %dma_wait3A_50 : memref<1x128xi32, #tpu.memory_space<vmem>> -> memref<128xi32, #tpu.memory_space<vmem>>
    %dma_wait3A_52 = arith.constant 0 : i32
    %dma_wait3A_53 = arith.constant 0 : i32
    %dma_wait3A_54 = tpu.memref_slice %arg5[%dma_wait3A_52, %dma_wait3A_53] : memref<128x128xf32, #tpu.memory_space<vmem_shared>> -> memref<128x128xf32, #tpu.memory_space<vmem_shared>>
    tpu.wait_indirect_dma semaphore(%arg8 : memref<!tpu.dma_semaphore, #tpu.memory_space<semaphore_mem>>) src(%dma_wait3A_54 : memref<128x128xf32, #tpu.memory_space<vmem_shared>>) dst(%dma_wait3A_48 : memref<128x128xf32, #tpu.memory_space<vmem>>)
    %dma_wait3A_55 = arith.constant 1 : i32
    %dma_wait3A_56 = arith.constant 0 : i32
    %dma_wait3A_57 = arith.constant 128 : i32
    %dma_wait3A_58 = arith.constant 0 : i32
    %dma_wait3A_59 = tpu.memref_slice %arg7[%dma_wait3A_56, %dma_wait3A_57, %dma_wait3A_58] : memref<2x256x128xf32, #tpu.memory_space<vmem>> -> memref<1x128x128xf32, #tpu.memory_space<vmem>>
    %dma_wait3A_60 = tpu.memref_squeeze %dma_wait3A_59 : memref<1x128x128xf32, #tpu.memory_space<vmem>> -> memref<128x128xf32, #tpu.memory_space<vmem>>
    %dma_wait3A_61 = arith.constant 0 : i32
    %dma_wait3A_62 = tpu.memref_slice %arg6[%dma_wait3A_55, %dma_wait3A_61] : memref<64x128xi32, #tpu.memory_space<vmem>> -> memref<1x128xi32, #tpu.memory_space<vmem>>
    %dma_wait3A_63 = tpu.memref_squeeze %dma_wait3A_62 : memref<1x128xi32, #tpu.memory_space<vmem>> -> memref<128xi32, #tpu.memory_space<vmem>>
    %dma_wait3A_64 = arith.constant 0 : i32
    %dma_wait3A_65 = arith.constant 0 : i32
    %dma_wait3A_66 = tpu.memref_slice %arg5[%dma_wait3A_64, %dma_wait3A_65] : memref<128x128xf32, #tpu.memory_space<vmem_shared>> -> memref<128x128xf32, #tpu.memory_space<vmem_shared>>
    tpu.wait_indirect_dma semaphore(%arg8 : memref<!tpu.dma_semaphore, #tpu.memory_space<semaphore_mem>>) src(%dma_wait3A_66 : memref<128x128xf32, #tpu.memory_space<vmem_shared>>) dst(%dma_wait3A_60 : memref<128x128xf32, #tpu.memory_space<vmem>>)
    %add3A_67 = arith.constant 0 : i32
    %add3A_68 = arith.addi %mul3A_2, %add3A_67 : i32
    %dma_start3A_69 = arith.constant 0 : i32
    %dma_start3A_70 = arith.constant 0 : i32
    %dma_start3A_71 = arith.constant 0 : i32
    %dma_start3A_72 = tpu.memref_slice %arg7[%dma_start3A_69, %dma_start3A_70, %dma_start3A_71] : memref<2x256x128xf32, #tpu.memory_space<vmem>> -> memref<1x256x128xf32, #tpu.memory_space<vmem>>
    %dma_start3A_73 = tpu.memref_squeeze %dma_start3A_72 : memref<1x256x128xf32, #tpu.memory_space<vmem>> -> memref<256x128xf32, #tpu.memory_space<vmem>>
    %dma_start3A_74 = arith.constant 0 : i32
    %dma_start3A_75 = tpu.memref_slice %arg4[%add3A_68, %dma_start3A_74] : memref<262144x128xf32, #tpu.memory_space<hbm>> -> memref<256x128xf32, #tpu.memory_space<hbm>>
    %dma_start3A_76 = arith.constant 0 : i32
    %dma_start3A_77 = tpu.memref_slice %arg4[%add3A_68, %dma_start3A_76] : memref<262144x128xf32, #tpu.memory_space<hbm>> -> memref<256x128xf32, #tpu.memory_space<hbm>>
    %dma_start3A_78 = arith.constant 0 : i32
    %dma_start3A_79 = arith.constant 0 : i32
    %dma_start3A_80 = tpu.memref_slice %arg7[%dma_start3A_69, %dma_start3A_78, %dma_start3A_79] : memref<2x256x128xf32, #tpu.memory_space<vmem>> -> memref<1x256x128xf32, #tpu.memory_space<vmem>>
    %dma_start3A_81 = tpu.memref_squeeze %dma_start3A_80 : memref<1x256x128xf32, #tpu.memory_space<vmem>> -> memref<256x128xf32, #tpu.memory_space<vmem>>
    tpu.enqueue_dma source(%dma_start3A_81 : memref<256x128xf32, #tpu.memory_space<vmem>>) target(%dma_start3A_77 : memref<256x128xf32, #tpu.memory_space<hbm>>) target_semaphore(%arg10 : memref<!tpu.dma_semaphore, #tpu.memory_space<semaphore_mem>>)
    %dma_start3A_82 = arith.constant 2 : i32
    %dma_start3A_83 = arith.constant 1 : i32
    %dma_start3A_84 = arith.constant 0 : i32
    %dma_start3A_85 = arith.constant 0 : i32
    %dma_start3A_86 = tpu.memref_slice %arg7[%dma_start3A_83, %dma_start3A_84, %dma_start3A_85] : memref<2x256x128xf32, #tpu.memory_space<vmem>> -> memref<1x128x128xf32, #tpu.memory_space<vmem>>
    %dma_start3A_87 = tpu.memref_squeeze %dma_start3A_86 : memref<1x128x128xf32, #tpu.memory_space<vmem>> -> memref<128x128xf32, #tpu.memory_space<vmem>>
    %dma_start3A_88 = arith.constant 0 : i32
    %dma_start3A_89 = tpu.memref_slice %arg6[%dma_start3A_82, %dma_start3A_88] : memref<64x128xi32, #tpu.memory_space<vmem>> -> memref<1x128xi32, #tpu.memory_space<vmem>>
    %dma_start3A_90 = tpu.memref_squeeze %dma_start3A_89 : memref<1x128xi32, #tpu.memory_space<vmem>> -> memref<128xi32, #tpu.memory_space<vmem>>
    %dma_start3A_91 = arith.constant 0 : i32
    %dma_start3A_92 = arith.constant 0 : i32
    %dma_start3A_93 = tpu.memref_slice %arg5[%dma_start3A_91, %dma_start3A_92] : memref<128x128xf32, #tpu.memory_space<vmem_shared>> -> memref<128x128xf32, #tpu.memory_space<vmem_shared>>
    tpu.enqueue_indirect_dma source(%dma_start3A_93 : memref<128x128xf32, #tpu.memory_space<vmem_shared>>) target(%dma_start3A_87 : memref<128x128xf32, #tpu.memory_space<vmem>>) offsets(%dma_start3A_90 : memref<128xi32, #tpu.memory_space<vmem>>) semaphore(%arg9 : memref<!tpu.dma_semaphore, #tpu.memory_space<semaphore_mem>>)
    %dma_start3A_94 = arith.constant 3 : i32
    %dma_start3A_95 = arith.constant 1 : i32
    %dma_start3A_96 = arith.constant 128 : i32
    %dma_start3A_97 = arith.constant 0 : i32
    %dma_start3A_98 = tpu.memref_slice %arg7[%dma_start3A_95, %dma_start3A_96, %dma_start3A_97] : memref<2x256x128xf32, #tpu.memory_space<vmem>> -> memref<1x128x128xf32, #tpu.memory_space<vmem>>
    %dma_start3A_99 = tpu.memref_squeeze %dma_start3A_98 : memref<1x128x128xf32, #tpu.memory_space<vmem>> -> memref<128x128xf32, #tpu.memory_space<vmem>>
    %dma_start3A_100 = arith.constant 0 : i32
    %dma_start3A_101 = tpu.memref_slice %arg6[%dma_start3A_94, %dma_start3A_100] : memref<64x128xi32, #tpu.memory_space<vmem>> -> memref<1x128xi32, #tpu.memory_space<vmem>>
    %dma_start3A_102 = tpu.memref_squeeze %dma_start3A_101 : memref<1x128xi32, #tpu.memory_space<vmem>> -> memref<128xi32, #tpu.memory_space<vmem>>
    %dma_start3A_103 = arith.constant 0 : i32
    %dma_start3A_104 = arith.constant 0 : i32
    %dma_start3A_105 = tpu.memref_slice %arg5[%dma_start3A_103, %dma_start3A_104] : memref<128x128xf32, #tpu.memory_space<vmem_shared>> -> memref<128x128xf32, #tpu.memory_space<vmem_shared>>
    tpu.enqueue_indirect_dma source(%dma_start3A_105 : memref<128x128xf32, #tpu.memory_space<vmem_shared>>) target(%dma_start3A_99 : memref<128x128xf32, #tpu.memory_space<vmem>>) offsets(%dma_start3A_102 : memref<128xi32, #tpu.memory_space<vmem>>) semaphore(%arg9 : memref<!tpu.dma_semaphore, #tpu.memory_space<semaphore_mem>>)
    %dma_wait3A_106 = arith.constant 2 : i32
    %dma_wait3A_107 = arith.constant 1 : i32
    %dma_wait3A_108 = arith.constant 0 : i32
    %dma_wait3A_109 = arith.constant 0 : i32
    %dma_wait3A_110 = tpu.memref_slice %arg7[%dma_wait3A_107, %dma_wait3A_108, %dma_wait3A_109] : memref<2x256x128xf32, #tpu.memory_space<vmem>> -> memref<1x128x128xf32, #tpu.memory_space<vmem>>
    %dma_wait3A_111 = tpu.memref_squeeze %dma_wait3A_110 : memref<1x128x128xf32, #tpu.memory_space<vmem>> -> memref<128x128xf32, #tpu.memory_space<vmem>>
    %dma_wait3A_112 = arith.constant 0 : i32
    %dma_wait3A_113 = tpu.memref_slice %arg6[%dma_wait3A_106, %dma_wait3A_112] : memref<64x128xi32, #tpu.memory_space<vmem>> -> memref<1x128xi32, #tpu.memory_space<vmem>>
    %dma_wait3A_114 = tpu.memref_squeeze %dma_wait3A_113 : memref<1x128xi32, #tpu.memory_space<vmem>> -> memref<128xi32, #tpu.memory_space<vmem>>
    %dma_wait3A_115 = arith.constant 0 : i32
    %dma_wait3A_116 = arith.constant 0 : i32
    %dma_wait3A_117 = tpu.memref_slice %arg5[%dma_wait3A_115, %dma_wait3A_116] : memref<128x128xf32, #tpu.memory_space<vmem_shared>> -> memref<128x128xf32, #tpu.memory_space<vmem_shared>>
    tpu.wait_indirect_dma semaphore(%arg9 : memref<!tpu.dma_semaphore, #tpu.memory_space<semaphore_mem>>) src(%dma_wait3A_117 : memref<128x128xf32, #tpu.memory_space<vmem_shared>>) dst(%dma_wait3A_111 : memref<128x128xf32, #tpu.memory_space<vmem>>)
    %dma_wait3A_118 = arith.constant 3 : i32
    %dma_wait3A_119 = arith.constant 1 : i32
    %dma_wait3A_120 = arith.constant 128 : i32
    %dma_wait3A_121 = arith.constant 0 : i32
    %dma_wait3A_122 = tpu.memref_slice %arg7[%dma_wait3A_119, %dma_wait3A_120, %dma_wait3A_121] : memref<2x256x128xf32, #tpu.memory_space<vmem>> -> memref<1x128x128xf32, #tpu.memory_space<vmem>>
    %dma_wait3A_123 = tpu.memref_squeeze %dma_wait3A_122 : memref<1x128x128xf32, #tpu.memory_space<vmem>> -> memref<128x128xf32, #tpu.memory_space<vmem>>
    %dma_wait3A_124 = arith.constant 0 : i32
    %dma_wait3A_125 = tpu.memref_slice %arg6[%dma_wait3A_118, %dma_wait3A_124] : memref<64x128xi32, #tpu.memory_space<vmem>> -> memref<1x128xi32, #tpu.memory_space<vmem>>
    %dma_wait3A_126 = tpu.memref_squeeze %dma_wait3A_125 : memref<1x128xi32, #tpu.memory_space<vmem>> -> memref<128xi32, #tpu.memory_space<vmem>>
    %dma_wait3A_127 = arith.constant 0 : i32
    %dma_wait3A_128 = arith.constant 0 : i32
    %dma_wait3A_129 = tpu.memref_slice %arg5[%dma_wait3A_127, %dma_wait3A_128] : memref<128x128xf32, #tpu.memory_space<vmem_shared>> -> memref<128x128xf32, #tpu.memory_space<vmem_shared>>
    tpu.wait_indirect_dma semaphore(%arg9 : memref<!tpu.dma_semaphore, #tpu.memory_space<semaphore_mem>>) src(%dma_wait3A_129 : memref<128x128xf32, #tpu.memory_space<vmem_shared>>) dst(%dma_wait3A_123 : memref<128x128xf32, #tpu.memory_space<vmem>>)
    %add3A_130 = arith.constant 256 : i32
    %add3A_131 = arith.addi %mul3A_2, %add3A_130 : i32
    %dma_start3A_132 = arith.constant 1 : i32
    %dma_start3A_133 = arith.constant 0 : i32
    %dma_start3A_134 = arith.constant 0 : i32
    %dma_start3A_135 = tpu.memref_slice %arg7[%dma_start3A_132, %dma_start3A_133, %dma_start3A_134] : memref<2x256x128xf32, #tpu.memory_space<vmem>> -> memref<1x256x128xf32, #tpu.memory_space<vmem>>
    %dma_start3A_136 = tpu.memref_squeeze %dma_start3A_135 : memref<1x256x128xf32, #tpu.memory_space<vmem>> -> memref<256x128xf32, #tpu.memory_space<vmem>>
    %dma_start3A_137 = arith.constant 0 : i32
    %dma_start3A_138 = tpu.memref_slice %arg4[%add3A_131, %dma_start3A_137] : memref<262144x128xf32, #tpu.memory_space<hbm>> -> memref<256x128xf32, #tpu.memory_space<hbm>>
    %dma_start3A_139 = arith.constant 0 : i32
    %dma_start3A_140 = tpu.memref_slice %arg4[%add3A_131, %dma_start3A_139] : memref<262144x128xf32, #tpu.memory_space<hbm>> -> memref<256x128xf32, #tpu.memory_space<hbm>>
    %dma_start3A_141 = arith.constant 0 : i32
    %dma_start3A_142 = arith.constant 0 : i32
    %dma_start3A_143 = tpu.memref_slice %arg7[%dma_start3A_132, %dma_start3A_141, %dma_start3A_142] : memref<2x256x128xf32, #tpu.memory_space<vmem>> -> memref<1x256x128xf32, #tpu.memory_space<vmem>>
    %dma_start3A_144 = tpu.memref_squeeze %dma_start3A_143 : memref<1x256x128xf32, #tpu.memory_space<vmem>> -> memref<256x128xf32, #tpu.memory_space<vmem>>
    tpu.enqueue_dma source(%dma_start3A_144 : memref<256x128xf32, #tpu.memory_space<vmem>>) target(%dma_start3A_140 : memref<256x128xf32, #tpu.memory_space<hbm>>) target_semaphore(%arg11 : memref<!tpu.dma_semaphore, #tpu.memory_space<semaphore_mem>>)
    %scan3A = arith.constant 0 : i32
    %scan3A_145 = arith.constant 1 : i32
    %scan3A_146 = arith.constant 15 : i32
    %scan3A_147 = arith.addi %scan3A_145, %scan3A_146 : i32
    %scan3A_148 = arith.constant 1 : i32
    scf.for %scan3A_176 = %scan3A_145 to %scan3A_147 step %scan3A_148  : i32 {
      %mul3A_177 = arith.constant 2 : i32
      %mul3A_178 = arith.muli %mul3A_177, %scan3A_176 : i32
      %dma_wait3A_179 = arith.constant 0 : i32
      %dma_wait3A_180 = arith.constant 0 : i32
      %dma_wait3A_181 = arith.constant 0 : i32
      %dma_wait3A_182 = tpu.memref_slice %arg7[%dma_wait3A_179, %dma_wait3A_180, %dma_wait3A_181] : memref<2x256x128xf32, #tpu.memory_space<vmem>> -> memref<1x256x128xf32, #tpu.memory_space<vmem>>
      %dma_wait3A_183 = tpu.memref_squeeze %dma_wait3A_182 : memref<1x256x128xf32, #tpu.memory_space<vmem>> -> memref<256x128xf32, #tpu.memory_space<vmem>>
      %dma_wait3A_184 = arith.constant 0 : i32
      %dma_wait3A_185 = tpu.memref_slice %arg4[%mul3A_2, %dma_wait3A_184] : memref<262144x128xf32, #tpu.memory_space<hbm>> -> memref<256x128xf32, #tpu.memory_space<hbm>>
      %dma_wait3A_186 = arith.constant 0 : i32
      %dma_wait3A_187 = tpu.memref_slice %arg4[%mul3A_2, %dma_wait3A_186] : memref<262144x128xf32, #tpu.memory_space<hbm>> -> memref<256x128xf32, #tpu.memory_space<hbm>>
      %dma_wait3A_188 = arith.constant 0 : i32
      %dma_wait3A_189 = arith.constant 0 : i32
      %dma_wait3A_190 = tpu.memref_slice %arg7[%dma_wait3A_179, %dma_wait3A_188, %dma_wait3A_189] : memref<2x256x128xf32, #tpu.memory_space<vmem>> -> memref<1x256x128xf32, #tpu.memory_space<vmem>>
      %dma_wait3A_191 = tpu.memref_squeeze %dma_wait3A_190 : memref<1x256x128xf32, #tpu.memory_space<vmem>> -> memref<256x128xf32, #tpu.memory_space<vmem>>
      tpu.wait_dma2 semaphore(%arg10 : memref<!tpu.dma_semaphore, #tpu.memory_space<semaphore_mem>>) src(%dma_wait3A_191 : memref<256x128xf32, #tpu.memory_space<vmem>>) dst(%dma_wait3A_187 : memref<256x128xf32, #tpu.memory_space<hbm>>)
      %mul3A_192 = arith.constant 2 : i32
      %mul3A_193 = arith.muli %mul3A_178, %mul3A_192 : i32
      %add3A_194 = arith.constant 0 : i32
      %add3A_195 = arith.addi %mul3A_193, %add3A_194 : i32
      %dma_start3A_196 = arith.constant 0 : i32
      %dma_start3A_197 = arith.constant 0 : i32
      %dma_start3A_198 = arith.constant 0 : i32
      %dma_start3A_199 = tpu.memref_slice %arg7[%dma_start3A_196, %dma_start3A_197, %dma_start3A_198] : memref<2x256x128xf32, #tpu.memory_space<vmem>> -> memref<1x128x128xf32, #tpu.memory_space<vmem>>
      %dma_start3A_200 = tpu.memref_squeeze %dma_start3A_199 : memref<1x128x128xf32, #tpu.memory_space<vmem>> -> memref<128x128xf32, #tpu.memory_space<vmem>>
      %dma_start3A_201 = arith.constant 0 : i32
      %dma_start3A_202 = tpu.memref_slice %arg6[%add3A_195, %dma_start3A_201] : memref<64x128xi32, #tpu.memory_space<vmem>> -> memref<1x128xi32, #tpu.memory_space<vmem>>
      %dma_start3A_203 = tpu.memref_squeeze %dma_start3A_202 : memref<1x128xi32, #tpu.memory_space<vmem>> -> memref<128xi32, #tpu.memory_space<vmem>>
      %dma_start3A_204 = arith.constant 0 : i32
      %dma_start3A_205 = arith.constant 0 : i32
      %dma_start3A_206 = tpu.memref_slice %arg5[%dma_start3A_204, %dma_start3A_205] : memref<128x128xf32, #tpu.memory_space<vmem_shared>> -> memref<128x128xf32, #tpu.memory_space<vmem_shared>>
      tpu.enqueue_indirect_dma source(%dma_start3A_206 : memref<128x128xf32, #tpu.memory_space<vmem_shared>>) target(%dma_start3A_200 : memref<128x128xf32, #tpu.memory_space<vmem>>) offsets(%dma_start3A_203 : memref<128xi32, #tpu.memory_space<vmem>>) semaphore(%arg8 : memref<!tpu.dma_semaphore, #tpu.memory_space<semaphore_mem>>)
      %mul3A_207 = arith.constant 2 : i32
      %mul3A_208 = arith.muli %mul3A_178, %mul3A_207 : i32
      %add3A_209 = arith.constant 1 : i32
      %add3A_210 = arith.addi %mul3A_208, %add3A_209 : i32
      %dma_start3A_211 = arith.constant 0 : i32
      %dma_start3A_212 = arith.constant 128 : i32
      %dma_start3A_213 = arith.constant 0 : i32
      %dma_start3A_214 = tpu.memref_slice %arg7[%dma_start3A_211, %dma_start3A_212, %dma_start3A_213] : memref<2x256x128xf32, #tpu.memory_space<vmem>> -> memref<1x128x128xf32, #tpu.memory_space<vmem>>
      %dma_start3A_215 = tpu.memref_squeeze %dma_start3A_214 : memref<1x128x128xf32, #tpu.memory_space<vmem>> -> memref<128x128xf32, #tpu.memory_space<vmem>>
      %dma_start3A_216 = arith.constant 0 : i32
      %dma_start3A_217 = tpu.memref_slice %arg6[%add3A_210, %dma_start3A_216] : memref<64x128xi32, #tpu.memory_space<vmem>> -> memref<1x128xi32, #tpu.memory_space<vmem>>
      %dma_start3A_218 = tpu.memref_squeeze %dma_start3A_217 : memref<1x128xi32, #tpu.memory_space<vmem>> -> memref<128xi32, #tpu.memory_space<vmem>>
      %dma_start3A_219 = arith.constant 0 : i32
      %dma_start3A_220 = arith.constant 0 : i32
      %dma_start3A_221 = tpu.memref_slice %arg5[%dma_start3A_219, %dma_start3A_220] : memref<128x128xf32, #tpu.memory_space<vmem_shared>> -> memref<128x128xf32, #tpu.memory_space<vmem_shared>>
      tpu.enqueue_indirect_dma source(%dma_start3A_221 : memref<128x128xf32, #tpu.memory_space<vmem_shared>>) target(%dma_start3A_215 : memref<128x128xf32, #tpu.memory_space<vmem>>) offsets(%dma_start3A_218 : memref<128xi32, #tpu.memory_space<vmem>>) semaphore(%arg8 : memref<!tpu.dma_semaphore, #tpu.memory_space<semaphore_mem>>)
      %dma_wait3A_222 = arith.constant 0 : i32
      %dma_wait3A_223 = arith.constant 0 : i32
      %dma_wait3A_224 = arith.constant 0 : i32
      %dma_wait3A_225 = tpu.memref_slice %arg7[%dma_wait3A_222, %dma_wait3A_223, %dma_wait3A_224] : memref<2x256x128xf32, #tpu.memory_space<vmem>> -> memref<1x128x128xf32, #tpu.memory_space<vmem>>
      %dma_wait3A_226 = tpu.memref_squeeze %dma_wait3A_225 : memref<1x128x128xf32, #tpu.memory_space<vmem>> -> memref<128x128xf32, #tpu.memory_space<vmem>>
      %dma_wait3A_227 = arith.constant 0 : i32
      %dma_wait3A_228 = tpu.memref_slice %arg6[%add3A_195, %dma_wait3A_227] : memref<64x128xi32, #tpu.memory_space<vmem>> -> memref<1x128xi32, #tpu.memory_space<vmem>>
      %dma_wait3A_229 = tpu.memref_squeeze %dma_wait3A_228 : memref<1x128xi32, #tpu.memory_space<vmem>> -> memref<128xi32, #tpu.memory_space<vmem>>
      %dma_wait3A_230 = arith.constant 0 : i32
      %dma_wait3A_231 = arith.constant 0 : i32
      %dma_wait3A_232 = tpu.memref_slice %arg5[%dma_wait3A_230, %dma_wait3A_231] : memref<128x128xf32, #tpu.memory_space<vmem_shared>> -> memref<128x128xf32, #tpu.memory_space<vmem_shared>>
      tpu.wait_indirect_dma semaphore(%arg8 : memref<!tpu.dma_semaphore, #tpu.memory_space<semaphore_mem>>) src(%dma_wait3A_232 : memref<128x128xf32, #tpu.memory_space<vmem_shared>>) dst(%dma_wait3A_226 : memref<128x128xf32, #tpu.memory_space<vmem>>)
      %dma_wait3A_233 = arith.constant 0 : i32
      %dma_wait3A_234 = arith.constant 128 : i32
      %dma_wait3A_235 = arith.constant 0 : i32
      %dma_wait3A_236 = tpu.memref_slice %arg7[%dma_wait3A_233, %dma_wait3A_234, %dma_wait3A_235] : memref<2x256x128xf32, #tpu.memory_space<vmem>> -> memref<1x128x128xf32, #tpu.memory_space<vmem>>
      %dma_wait3A_237 = tpu.memref_squeeze %dma_wait3A_236 : memref<1x128x128xf32, #tpu.memory_space<vmem>> -> memref<128x128xf32, #tpu.memory_space<vmem>>
      %dma_wait3A_238 = arith.constant 0 : i32
      %dma_wait3A_239 = tpu.memref_slice %arg6[%add3A_210, %dma_wait3A_238] : memref<64x128xi32, #tpu.memory_space<vmem>> -> memref<1x128xi32, #tpu.memory_space<vmem>>
      %dma_wait3A_240 = tpu.memref_squeeze %dma_wait3A_239 : memref<1x128xi32, #tpu.memory_space<vmem>> -> memref<128xi32, #tpu.memory_space<vmem>>
      %dma_wait3A_241 = arith.constant 0 : i32
      %dma_wait3A_242 = arith.constant 0 : i32
      %dma_wait3A_243 = tpu.memref_slice %arg5[%dma_wait3A_241, %dma_wait3A_242] : memref<128x128xf32, #tpu.memory_space<vmem_shared>> -> memref<128x128xf32, #tpu.memory_space<vmem_shared>>
      tpu.wait_indirect_dma semaphore(%arg8 : memref<!tpu.dma_semaphore, #tpu.memory_space<semaphore_mem>>) src(%dma_wait3A_243 : memref<128x128xf32, #tpu.memory_space<vmem_shared>>) dst(%dma_wait3A_237 : memref<128x128xf32, #tpu.memory_space<vmem>>)
      %mul3A_244 = arith.constant 256 : i32
      %mul3A_245 = arith.muli %mul3A_178, %mul3A_244 : i32
      %add3A_246 = arith.addi %mul3A_2, %mul3A_245 : i32
      %dma_start3A_247 = arith.constant 0 : i32
      %dma_start3A_248 = arith.constant 0 : i32
      %dma_start3A_249 = arith.constant 0 : i32
      %dma_start3A_250 = tpu.memref_slice %arg7[%dma_start3A_247, %dma_start3A_248, %dma_start3A_249] : memref<2x256x128xf32, #tpu.memory_space<vmem>> -> memref<1x256x128xf32, #tpu.memory_space<vmem>>
      %dma_start3A_251 = tpu.memref_squeeze %dma_start3A_250 : memref<1x256x128xf32, #tpu.memory_space<vmem>> -> memref<256x128xf32, #tpu.memory_space<vmem>>
      %dma_start3A_252 = arith.constant 0 : i32
      %dma_start3A_253 = tpu.memref_slice %arg4[%add3A_246, %dma_start3A_252] : memref<262144x128xf32, #tpu.memory_space<hbm>> -> memref<256x128xf32, #tpu.memory_space<hbm>>
      %dma_start3A_254 = arith.constant 0 : i32
      %dma_start3A_255 = tpu.memref_slice %arg4[%add3A_246, %dma_start3A_254] : memref<262144x128xf32, #tpu.memory_space<hbm>> -> memref<256x128xf32, #tpu.memory_space<hbm>>
      %dma_start3A_256 = arith.constant 0 : i32
      %dma_start3A_257 = arith.constant 0 : i32
      %dma_start3A_258 = tpu.memref_slice %arg7[%dma_start3A_247, %dma_start3A_256, %dma_start3A_257] : memref<2x256x128xf32, #tpu.memory_space<vmem>> -> memref<1x256x128xf32, #tpu.memory_space<vmem>>
      %dma_start3A_259 = tpu.memref_squeeze %dma_start3A_258 : memref<1x256x128xf32, #tpu.memory_space<vmem>> -> memref<256x128xf32, #tpu.memory_space<vmem>>
      tpu.enqueue_dma source(%dma_start3A_259 : memref<256x128xf32, #tpu.memory_space<vmem>>) target(%dma_start3A_255 : memref<256x128xf32, #tpu.memory_space<hbm>>) target_semaphore(%arg10 : memref<!tpu.dma_semaphore, #tpu.memory_space<semaphore_mem>>)
      %mul3A_260 = arith.constant 2 : i32
      %mul3A_261 = arith.muli %mul3A_260, %scan3A_176 : i32
      %add3A_262 = arith.constant 1 : i32
      %add3A_263 = arith.addi %mul3A_261, %add3A_262 : i32
      %dma_wait3A_264 = arith.constant 1 : i32
      %dma_wait3A_265 = arith.constant 0 : i32
      %dma_wait3A_266 = arith.constant 0 : i32
      %dma_wait3A_267 = tpu.memref_slice %arg7[%dma_wait3A_264, %dma_wait3A_265, %dma_wait3A_266] : memref<2x256x128xf32, #tpu.memory_space<vmem>> -> memref<1x256x128xf32, #tpu.memory_space<vmem>>
      %dma_wait3A_268 = tpu.memref_squeeze %dma_wait3A_267 : memref<1x256x128xf32, #tpu.memory_space<vmem>> -> memref<256x128xf32, #tpu.memory_space<vmem>>
      %dma_wait3A_269 = arith.constant 0 : i32
      %dma_wait3A_270 = tpu.memref_slice %arg4[%mul3A_2, %dma_wait3A_269] : memref<262144x128xf32, #tpu.memory_space<hbm>> -> memref<256x128xf32, #tpu.memory_space<hbm>>
      %dma_wait3A_271 = arith.constant 0 : i32
      %dma_wait3A_272 = tpu.memref_slice %arg4[%mul3A_2, %dma_wait3A_271] : memref<262144x128xf32, #tpu.memory_space<hbm>> -> memref<256x128xf32, #tpu.memory_space<hbm>>
      %dma_wait3A_273 = arith.constant 0 : i32
      %dma_wait3A_274 = arith.constant 0 : i32
      %dma_wait3A_275 = tpu.memref_slice %arg7[%dma_wait3A_264, %dma_wait3A_273, %dma_wait3A_274] : memref<2x256x128xf32, #tpu.memory_space<vmem>> -> memref<1x256x128xf32, #tpu.memory_space<vmem>>
      %dma_wait3A_276 = tpu.memref_squeeze %dma_wait3A_275 : memref<1x256x128xf32, #tpu.memory_space<vmem>> -> memref<256x128xf32, #tpu.memory_space<vmem>>
      tpu.wait_dma2 semaphore(%arg11 : memref<!tpu.dma_semaphore, #tpu.memory_space<semaphore_mem>>) src(%dma_wait3A_276 : memref<256x128xf32, #tpu.memory_space<vmem>>) dst(%dma_wait3A_272 : memref<256x128xf32, #tpu.memory_space<hbm>>)
      %mul3A_277 = arith.constant 2 : i32
      %mul3A_278 = arith.muli %add3A_263, %mul3A_277 : i32
      %add3A_279 = arith.constant 0 : i32
      %add3A_280 = arith.addi %mul3A_278, %add3A_279 : i32
      %dma_start3A_281 = arith.constant 1 : i32
      %dma_start3A_282 = arith.constant 0 : i32
      %dma_start3A_283 = arith.constant 0 : i32
      %dma_start3A_284 = tpu.memref_slice %arg7[%dma_start3A_281, %dma_start3A_282, %dma_start3A_283] : memref<2x256x128xf32, #tpu.memory_space<vmem>> -> memref<1x128x128xf32, #tpu.memory_space<vmem>>
      %dma_start3A_285 = tpu.memref_squeeze %dma_start3A_284 : memref<1x128x128xf32, #tpu.memory_space<vmem>> -> memref<128x128xf32, #tpu.memory_space<vmem>>
      %dma_start3A_286 = arith.constant 0 : i32
      %dma_start3A_287 = tpu.memref_slice %arg6[%add3A_280, %dma_start3A_286] : memref<64x128xi32, #tpu.memory_space<vmem>> -> memref<1x128xi32, #tpu.memory_space<vmem>>
      %dma_start3A_288 = tpu.memref_squeeze %dma_start3A_287 : memref<1x128xi32, #tpu.memory_space<vmem>> -> memref<128xi32, #tpu.memory_space<vmem>>
      %dma_start3A_289 = arith.constant 0 : i32
      %dma_start3A_290 = arith.constant 0 : i32
      %dma_start3A_291 = tpu.memref_slice %arg5[%dma_start3A_289, %dma_start3A_290] : memref<128x128xf32, #tpu.memory_space<vmem_shared>> -> memref<128x128xf32, #tpu.memory_space<vmem_shared>>
      tpu.enqueue_indirect_dma source(%dma_start3A_291 : memref<128x128xf32, #tpu.memory_space<vmem_shared>>) target(%dma_start3A_285 : memref<128x128xf32, #tpu.memory_space<vmem>>) offsets(%dma_start3A_288 : memref<128xi32, #tpu.memory_space<vmem>>) semaphore(%arg9 : memref<!tpu.dma_semaphore, #tpu.memory_space<semaphore_mem>>)
      %mul3A_292 = arith.constant 2 : i32
      %mul3A_293 = arith.muli %add3A_263, %mul3A_292 : i32
      %add3A_294 = arith.constant 1 : i32
      %add3A_295 = arith.addi %mul3A_293, %add3A_294 : i32
      %dma_start3A_296 = arith.constant 1 : i32
      %dma_start3A_297 = arith.constant 128 : i32
      %dma_start3A_298 = arith.constant 0 : i32
      %dma_start3A_299 = tpu.memref_slice %arg7[%dma_start3A_296, %dma_start3A_297, %dma_start3A_298] : memref<2x256x128xf32, #tpu.memory_space<vmem>> -> memref<1x128x128xf32, #tpu.memory_space<vmem>>
      %dma_start3A_300 = tpu.memref_squeeze %dma_start3A_299 : memref<1x128x128xf32, #tpu.memory_space<vmem>> -> memref<128x128xf32, #tpu.memory_space<vmem>>
      %dma_start3A_301 = arith.constant 0 : i32
      %dma_start3A_302 = tpu.memref_slice %arg6[%add3A_295, %dma_start3A_301] : memref<64x128xi32, #tpu.memory_space<vmem>> -> memref<1x128xi32, #tpu.memory_space<vmem>>
      %dma_start3A_303 = tpu.memref_squeeze %dma_start3A_302 : memref<1x128xi32, #tpu.memory_space<vmem>> -> memref<128xi32, #tpu.memory_space<vmem>>
      %dma_start3A_304 = arith.constant 0 : i32
      %dma_start3A_305 = arith.constant 0 : i32
      %dma_start3A_306 = tpu.memref_slice %arg5[%dma_start3A_304, %dma_start3A_305] : memref<128x128xf32, #tpu.memory_space<vmem_shared>> -> memref<128x128xf32, #tpu.memory_space<vmem_shared>>
      tpu.enqueue_indirect_dma source(%dma_start3A_306 : memref<128x128xf32, #tpu.memory_space<vmem_shared>>) target(%dma_start3A_300 : memref<128x128xf32, #tpu.memory_space<vmem>>) offsets(%dma_start3A_303 : memref<128xi32, #tpu.memory_space<vmem>>) semaphore(%arg9 : memref<!tpu.dma_semaphore, #tpu.memory_space<semaphore_mem>>)
      %dma_wait3A_307 = arith.constant 1 : i32
      %dma_wait3A_308 = arith.constant 0 : i32
      %dma_wait3A_309 = arith.constant 0 : i32
      %dma_wait3A_310 = tpu.memref_slice %arg7[%dma_wait3A_307, %dma_wait3A_308, %dma_wait3A_309] : memref<2x256x128xf32, #tpu.memory_space<vmem>> -> memref<1x128x128xf32, #tpu.memory_space<vmem>>
      %dma_wait3A_311 = tpu.memref_squeeze %dma_wait3A_310 : memref<1x128x128xf32, #tpu.memory_space<vmem>> -> memref<128x128xf32, #tpu.memory_space<vmem>>
      %dma_wait3A_312 = arith.constant 0 : i32
      %dma_wait3A_313 = tpu.memref_slice %arg6[%add3A_280, %dma_wait3A_312] : memref<64x128xi32, #tpu.memory_space<vmem>> -> memref<1x128xi32, #tpu.memory_space<vmem>>
      %dma_wait3A_314 = tpu.memref_squeeze %dma_wait3A_313 : memref<1x128xi32, #tpu.memory_space<vmem>> -> memref<128xi32, #tpu.memory_space<vmem>>
      %dma_wait3A_315 = arith.constant 0 : i32
      %dma_wait3A_316 = arith.constant 0 : i32
      %dma_wait3A_317 = tpu.memref_slice %arg5[%dma_wait3A_315, %dma_wait3A_316] : memref<128x128xf32, #tpu.memory_space<vmem_shared>> -> memref<128x128xf32, #tpu.memory_space<vmem_shared>>
      tpu.wait_indirect_dma semaphore(%arg9 : memref<!tpu.dma_semaphore, #tpu.memory_space<semaphore_mem>>) src(%dma_wait3A_317 : memref<128x128xf32, #tpu.memory_space<vmem_shared>>) dst(%dma_wait3A_311 : memref<128x128xf32, #tpu.memory_space<vmem>>)
      %dma_wait3A_318 = arith.constant 1 : i32
      %dma_wait3A_319 = arith.constant 128 : i32
      %dma_wait3A_320 = arith.constant 0 : i32
      %dma_wait3A_321 = tpu.memref_slice %arg7[%dma_wait3A_318, %dma_wait3A_319, %dma_wait3A_320] : memref<2x256x128xf32, #tpu.memory_space<vmem>> -> memref<1x128x128xf32, #tpu.memory_space<vmem>>
      %dma_wait3A_322 = tpu.memref_squeeze %dma_wait3A_321 : memref<1x128x128xf32, #tpu.memory_space<vmem>> -> memref<128x128xf32, #tpu.memory_space<vmem>>
      %dma_wait3A_323 = arith.constant 0 : i32
      %dma_wait3A_324 = tpu.memref_slice %arg6[%add3A_295, %dma_wait3A_323] : memref<64x128xi32, #tpu.memory_space<vmem>> -> memref<1x128xi32, #tpu.memory_space<vmem>>
      %dma_wait3A_325 = tpu.memref_squeeze %dma_wait3A_324 : memref<1x128xi32, #tpu.memory_space<vmem>> -> memref<128xi32, #tpu.memory_space<vmem>>
      %dma_wait3A_326 = arith.constant 0 : i32
      %dma_wait3A_327 = arith.constant 0 : i32
      %dma_wait3A_328 = tpu.memref_slice %arg5[%dma_wait3A_326, %dma_wait3A_327] : memref<128x128xf32, #tpu.memory_space<vmem_shared>> -> memref<128x128xf32, #tpu.memory_space<vmem_shared>>
      tpu.wait_indirect_dma semaphore(%arg9 : memref<!tpu.dma_semaphore, #tpu.memory_space<semaphore_mem>>) src(%dma_wait3A_328 : memref<128x128xf32, #tpu.memory_space<vmem_shared>>) dst(%dma_wait3A_322 : memref<128x128xf32, #tpu.memory_space<vmem>>)
      %mul3A_329 = arith.constant 256 : i32
      %mul3A_330 = arith.muli %add3A_263, %mul3A_329 : i32
      %add3A_331 = arith.addi %mul3A_2, %mul3A_330 : i32
      %dma_start3A_332 = arith.constant 1 : i32
      %dma_start3A_333 = arith.constant 0 : i32
      %dma_start3A_334 = arith.constant 0 : i32
      %dma_start3A_335 = tpu.memref_slice %arg7[%dma_start3A_332, %dma_start3A_333, %dma_start3A_334] : memref<2x256x128xf32, #tpu.memory_space<vmem>> -> memref<1x256x128xf32, #tpu.memory_space<vmem>>
      %dma_start3A_336 = tpu.memref_squeeze %dma_start3A_335 : memref<1x256x128xf32, #tpu.memory_space<vmem>> -> memref<256x128xf32, #tpu.memory_space<vmem>>
      %dma_start3A_337 = arith.constant 0 : i32
      %dma_start3A_338 = tpu.memref_slice %arg4[%add3A_331, %dma_start3A_337] : memref<262144x128xf32, #tpu.memory_space<hbm>> -> memref<256x128xf32, #tpu.memory_space<hbm>>
      %dma_start3A_339 = arith.constant 0 : i32
      %dma_start3A_340 = tpu.memref_slice %arg4[%add3A_331, %dma_start3A_339] : memref<262144x128xf32, #tpu.memory_space<hbm>> -> memref<256x128xf32, #tpu.memory_space<hbm>>
      %dma_start3A_341 = arith.constant 0 : i32
      %dma_start3A_342 = arith.constant 0 : i32
      %dma_start3A_343 = tpu.memref_slice %arg7[%dma_start3A_332, %dma_start3A_341, %dma_start3A_342] : memref<2x256x128xf32, #tpu.memory_space<vmem>> -> memref<1x256x128xf32, #tpu.memory_space<vmem>>
      %dma_start3A_344 = tpu.memref_squeeze %dma_start3A_343 : memref<1x256x128xf32, #tpu.memory_space<vmem>> -> memref<256x128xf32, #tpu.memory_space<vmem>>
      tpu.enqueue_dma source(%dma_start3A_344 : memref<256x128xf32, #tpu.memory_space<vmem>>) target(%dma_start3A_340 : memref<256x128xf32, #tpu.memory_space<hbm>>) target_semaphore(%arg11 : memref<!tpu.dma_semaphore, #tpu.memory_space<semaphore_mem>>)
    }
    %scan3A_149 = arith.constant 15 : i32
    %dma_wait3A_150 = arith.constant 0 : i32
    %dma_wait3A_151 = arith.constant 0 : i32
    %dma_wait3A_152 = arith.constant 0 : i32
    %dma_wait3A_153 = tpu.memref_slice %arg7[%dma_wait3A_150, %dma_wait3A_151, %dma_wait3A_152] : memref<2x256x128xf32, #tpu.memory_space<vmem>> -> memref<1x256x128xf32, #tpu.memory_space<vmem>>
    %dma_wait3A_154 = tpu.memref_squeeze %dma_wait3A_153 : memref<1x256x128xf32, #tpu.memory_space<vmem>> -> memref<256x128xf32, #tpu.memory_space<vmem>>
    %dma_wait3A_155 = arith.constant 0 : i32
    %dma_wait3A_156 = tpu.memref_slice %arg4[%mul3A_2, %dma_wait3A_155] : memref<262144x128xf32, #tpu.memory_space<hbm>> -> memref<256x128xf32, #tpu.memory_space<hbm>>
    %dma_wait3A_157 = arith.constant 0 : i32
    %dma_wait3A_158 = tpu.memref_slice %arg4[%mul3A_2, %dma_wait3A_157] : memref<262144x128xf32, #tpu.memory_space<hbm>> -> memref<256x128xf32, #tpu.memory_space<hbm>>
    %dma_wait3A_159 = arith.constant 0 : i32
    %dma_wait3A_160 = arith.constant 0 : i32
    %dma_wait3A_161 = tpu.memref_slice %arg7[%dma_wait3A_150, %dma_wait3A_159, %dma_wait3A_160] : memref<2x256x128xf32, #tpu.memory_space<vmem>> -> memref<1x256x128xf32, #tpu.memory_space<vmem>>
    %dma_wait3A_162 = tpu.memref_squeeze %dma_wait3A_161 : memref<1x256x128xf32, #tpu.memory_space<vmem>> -> memref<256x128xf32, #tpu.memory_space<vmem>>
    tpu.wait_dma2 semaphore(%arg10 : memref<!tpu.dma_semaphore, #tpu.memory_space<semaphore_mem>>) src(%dma_wait3A_162 : memref<256x128xf32, #tpu.memory_space<vmem>>) dst(%dma_wait3A_158 : memref<256x128xf32, #tpu.memory_space<hbm>>)
    %dma_wait3A_163 = arith.constant 1 : i32
    %dma_wait3A_164 = arith.constant 0 : i32
    %dma_wait3A_165 = arith.constant 0 : i32
    %dma_wait3A_166 = tpu.memref_slice %arg7[%dma_wait3A_163, %dma_wait3A_164, %dma_wait3A_165] : memref<2x256x128xf32, #tpu.memory_space<vmem>> -> memref<1x256x128xf32, #tpu.memory_space<vmem>>
    %dma_wait3A_167 = tpu.memref_squeeze %dma_wait3A_166 : memref<1x256x128xf32, #tpu.memory_space<vmem>> -> memref<256x128xf32, #tpu.memory_space<vmem>>
    %dma_wait3A_168 = arith.constant 0 : i32
    %dma_wait3A_169 = tpu.memref_slice %arg4[%mul3A_2, %dma_wait3A_168] : memref<262144x128xf32, #tpu.memory_space<hbm>> -> memref<256x128xf32, #tpu.memory_space<hbm>>
    %dma_wait3A_170 = arith.constant 0 : i32
    %dma_wait3A_171 = tpu.memref_slice %arg4[%mul3A_2, %dma_wait3A_170] : memref<262144x128xf32, #tpu.memory_space<hbm>> -> memref<256x128xf32, #tpu.memory_space<hbm>>
    %dma_wait3A_172 = arith.constant 0 : i32
    %dma_wait3A_173 = arith.constant 0 : i32
    %dma_wait3A_174 = tpu.memref_slice %arg7[%dma_wait3A_163, %dma_wait3A_172, %dma_wait3A_173] : memref<2x256x128xf32, #tpu.memory_space<vmem>> -> memref<1x256x128xf32, #tpu.memory_space<vmem>>
    %dma_wait3A_175 = tpu.memref_squeeze %dma_wait3A_174 : memref<1x256x128xf32, #tpu.memory_space<vmem>> -> memref<256x128xf32, #tpu.memory_space<vmem>>
    tpu.wait_dma2 semaphore(%arg11 : memref<!tpu.dma_semaphore, #tpu.memory_space<semaphore_mem>>) src(%dma_wait3A_175 : memref<256x128xf32, #tpu.memory_space<vmem>>) dst(%dma_wait3A_171 : memref<256x128xf32, #tpu.memory_space<hbm>>)
    return
  }
}

module attributes {stable_mosaic.version = 14 : i64} {
  func.func @_project_body(%arg0: memref<128x4xf32, #tpu.memory_space<vmem>>, %arg1: memref<128x4xf32, #tpu.memory_space<vmem>>, %arg2: memref<1x128xf32, #tpu.memory_space<vmem>>, %arg3: memref<128x128xf32, #tpu.memory_space<vmem>>) attributes {dimension_semantics = [], scalar_prefetch = 0 : i64, scratch_operands = 0 : i64, tpu.core_type = #tpu.core_type<tc>} {
    %get3A = arith.constant 0 : index
    %get3A_0 = arith.constant 0 : index
    %get3A_1 = vector.load %arg0[%get3A, %get3A_0] : memref<128x4xf32, #tpu.memory_space<vmem>>, vector<128x4xf32>
    %get3A_2 = arith.constant 0 : index
    %get3A_3 = arith.constant 0 : index
    %get3A_4 = vector.load %arg1[%get3A_2, %get3A_3] : memref<128x4xf32, #tpu.memory_space<vmem>>, vector<128x4xf32>
    %dot_general3A = arith.constant dense<0.000000e+00> : vector<128x128xf32>
    %dot_general3A_5 = tpu.matmul %get3A_1, %get3A_4, %dot_general3A {dimension_numbers = #tpu.dot_dimension_numbers<[1], [1], [0], [0], [0, 0, 1, 0], [], []>, transpose_lhs_hint = false} : vector<128x4xf32>, vector<128x4xf32>, vector<128x128xf32> -> vector<128x128xf32>
    %get3A_6 = arith.constant 0 : index
    %get3A_7 = arith.constant 0 : index
    %get3A_8 = vector.load %arg2[%get3A_6, %get3A_7] : memref<1x128xf32, #tpu.memory_space<vmem>>, vector<1x128xf32>
    %add3A = vector.broadcast %get3A_8 : vector<1x128xf32> to vector<128x128xf32>
    %add3A_9 = arith.addf %dot_general3A_5, %add3A : vector<128x128xf32>
    %swap3A = arith.constant 0 : index
    %swap3A_10 = arith.constant 0 : index
    %swap3A_11 = vector.load %arg3[%swap3A, %swap3A_10] : memref<128x128xf32, #tpu.memory_space<vmem>>, vector<128x128xf32>
    tpu.vector_store %arg3[%swap3A, %swap3A_10], %add3A_9 {strides = array<i32>} : memref<128x128xf32, #tpu.memory_space<vmem>>, vector<128x128xf32>,
    return
  }
}

</mosaic_0001>

<sc_bundles>
// kernel: kernel.4.cloned.1.call-start
scs
__scs_entry_jumppad:
0x0: {  	(pc) =	sbr.rel $0x88, $3  }
0x1: {  	(tag) =	ssettag $0x0;
	lr =	simm.s32 $0x1  }
0x2: {  	[smem:$0x3F9D] =	sst lr;
	_ =	strace $0xD0000000  }
0x3: {  	_ = 	snop  }
0x4: {  	_ = 	snop  }
0x5: {  	_ = 	snop  }
0x6: {  	_ = 	snop  }
0x7: {  	_ = 	snop  }
__scs_overlays_trampoline_lowered:
0x8: {  	[smem:$0x3FAC] =	sst s0  }
0x9: {  	[smem:$0x3FAD] =	sst s1  }
0xa: {  	[smem:$0x3FAE] =	sst s2  }
0xb: {  	[smem:$0x3FAF] =	sst s3  }
0xc: {  	[smem:$0x3FB0] =	sst s4  }
0xd: {  	[smem:$0x3FB1] =	sst s5  }
0xe: {  	[smem:$0x3FB2] =	sst s6  }
0xf: {  	[smem:$0x3FB3] =	sst s7  }
0x10: {  	[smem:$0x3FB4] =	sst s8  }
0x11: {  	[smem:$0x3FB5] =	sst s9;
	s0 =	simm.s32 @!p0 $0x0  }
0x12: {  	s1 =	sld [smem:$0x3F9B];
	s0 =	simm.s32 @p0 $0x1  }
0x13: {  	[smem:$0x3FB6] =	sst s0;
	s0 =	simm.s32 @!p1 $0x0  }
0x14: {  	s2 =	sld [smem:$0x3F9A];
	s0 =	simm.s32 @p1 $0x1  }
0x15: {  	[smem:$0x3FB7] =	sst s0;
	s0 =	simm.s32 @!p2 $0x0  }
0x16: {  	s3 =	sld [smem:$0x3FDB];
	s0 =	simm.s32 @p2 $0x1  }
0x17: {  	s4 =	simm.s32 $0x1BF5;
	[smem:$0x3FB9] =	sst s0  }
0x18: {  	s0 =	sld [smem:$0x3F9C];
	_ =	swait.ge [sflag:s4], $0x0  }
0x19: {  	s7 =	sld [smem:$0x3F9D]  }
0x1a: {  	s8 =	sadd.s32 $0xFFFFE003, lr  }
0x1b: {  	s9 =	sadd.s32 $0xFFFFFEF7, lr;
	s5 =	simm.s32 $0xFFFFFFFF;
	p2 =	slt.u32 s8, $0xFFFFF086  }
0x1c: {  	p1 =	slt.u32 s9, $0xF7A;
	s5 =	simm.s32 @!p2 $0x0  }
0x1d: {  	s5 =	simm.s32 @p1 $0x1;
	p0 =	seq.s32 s7, s2  }
0x1e: {  	s7 =	smul.u32 @!p0 $0xF7A, s2;
	p2 =	seq.s32 @!p0 s5, $0x0  }
0x1f: {  	s9 =	smul.u32 $0xF7A, s1;
	s8 =	simm.s32 @!p0 $0x1BF5;
	p2 =	por !p2, p0  }
0x20: {  	[sflag:s8] =	ssyncset.s32 @!p0 $0xFFFFF086;
	s6 =	sadd.s32 @!p0 s3, s7;
	s7 =	simm.s32 @!p0 $0x108  }
0x21: {  	s3 =	sadd.s32 s3, s9;
	s6 =	sadd.s32 @!p0 $0x88, s6;
	s7 =	simm.s32 @p2 $0x1082  }
0x22: {  	[simem:s7], [sflag:s8] =	dma.local @!p0 [hbm:s6], $0xF7A  }
0x23: {  	s9 =	sor.u32 $0xD0000000, s2;
	s6 =	simm.s32 $0x108;
	_ =	swait.ge @!p0 [sflag:s8], $0x0  }
0x24: {  	s3 =	sadd.s32 $0x88, s3;
	s6 =	simm.s32 @!p1 $0x1082;
	[sflag:s4] =	ssyncset.s32 $0xFFFFF086  }
0x25: {  	[simem:s6], [sflag:s4] =	dma.local [hbm:s3], $0xF7A  }
0x26: {  	[smem:$0x3F9D] =	sst s1;
	(tag) =	ssettag s2;
	_ =	strace s9  }
0x27: {  	s1 =	sld [smem:$0x3FAD]  }
0x28: {  	s2 =	sld [smem:$0x3FAE]  }
0x29: {  	s4 =	sld [smem:$0x3FB0]  }
0x2a: {  	p0 =	seq.s32 s5, $0x0;
	s5 =	sld [smem:$0x3FB1]  }
0x2b: {  	s6 =	sld [smem:$0x3FB2]  }
0x2c: {  	s7 =	sld [smem:$0x3FB3]  }
0x2d: {  	s3 =	simm.s32 $0x108;
	s8 =	sld [smem:$0x3FB4]  }
0x2e: {  	s3 =	simm.s32 @!p0 $0x1082;
	s9 =	sld [smem:$0x3FB5]  }
0x2f: {  	lr =	sadd.s32 s0, s3;
	s0 =	sld [smem:$0x3FAC]  }
0x30: {  	s3 =	sld [smem:$0x3FAF]  }
0x31: {  	[smem:$0x3FB8] =	sst s10  }
0x32: {  	s10 =	sld [smem:$0x3FB6];
	_ =	sdelay $0x3  }
0x33: {  	p0 =	seq.s32 s10, $0x1;
	s10 =	sld [smem:$0x3FB8];
	_ =	sdelay $0x3  }
0x34: {  	[smem:$0x3FB8] =	sst s10  }
0x35: {  	s10 =	sld [smem:$0x3FB7];
	_ =	sdelay $0x3  }
0x36: {  	p1 =	seq.s32 s10, $0x1;
	s10 =	sld [smem:$0x3FB8];
	_ =	sdelay $0x3  }
0x37: {  	[smem:$0x3FB8] =	sst s10  }
0x38: {  	s10 =	sld [smem:$0x3FB9]  }
0x39: {  	_ = 	snop;
	(pc) =	sbr.ind lr, $3  }
0x3a: {  	_ = 	snop  }
0x3b: {  	_ = 	snop  }
0x3c: {  	p2 =	seq.s32 s10, $0x1;
	s10 =	sld [smem:$0x3FB8]  }
0x3d: {  	_ =	shalt  }
0x3e: {  	_ =	shalt  }
0x3f: {  	_ =	shalt  }
0x40: {  	_ =	shalt  }
0x41: {  	_ =	shalt  }
0x42: {  	_ =	shalt  }
0x43: {  	_ =	shalt  }
0x44: {  	_ =	shalt  }
0x45: {  	_ =	shalt  }
0x46: {  	_ =	shalt  }
0x47: {  	_ =	shalt  }
0x48: {  	_ =	shalt  }
0x49: {  	_ =	shalt  }
0x4a: {  	_ =	shalt  }
0x4b: {  	_ =	shalt  }
0x4c: {  	_ =	shalt  }
0x4d: {  	_ =	shalt  }
0x4e: {  	_ =	shalt  }
0x4f: {  	_ =	shalt  }
0x50: {  	_ =	shalt  }
0x51: {  	_ =	shalt  }
0x52: {  	_ =	shalt  }
0x53: {  	_ =	shalt  }
0x54: {  	_ =	shalt  }
0x55: {  	_ =	shalt  }
0x56: {  	_ =	shalt  }
0x57: {  	_ =	shalt  }
0x58: {  	_ =	shalt  }
0x59: {  	_ =	shalt  }
0x5a: {  	_ =	shalt  }
0x5b: {  	_ =	shalt  }
0x5c: {  	_ =	shalt  }
0x5d: {  	_ =	shalt  }
0x5e: {  	_ =	shalt  }
0x5f: {  	_ =	shalt  }
0x60: {  	_ =	shalt  }
0x61: {  	_ =	shalt  }
0x62: {  	_ =	shalt  }
0x63: {  	_ =	shalt  }
0x64: {  	_ =	shalt  }
0x65: {  	_ =	shalt  }
0x66: {  	_ =	shalt  }
0x67: {  	_ =	shalt  }
0x68: {  	_ =	shalt  }
0x69: {  	_ =	shalt  }
0x6a: {  	_ =	shalt  }
0x6b: {  	_ =	shalt  }
0x6c: {  	_ =	shalt  }
0x6d: {  	_ =	shalt  }
0x6e: {  	_ =	shalt  }
0x6f: {  	_ =	shalt  }
0x70: {  	_ =	shalt  }
0x71: {  	_ =	shalt  }
0x72: {  	_ =	shalt  }
0x73: {  	_ =	shalt  }
0x74: {  	_ =	shalt  }
0x75: {  	_ =	shalt  }
0x76: {  	_ =	shalt  }
0x77: {  	_ =	shalt  }
0x78: {  	_ =	shalt  }
0x79: {  	_ =	shalt  }
0x7a: {  	_ =	shalt  }
0x7b: {  	_ =	shalt  }
0x7c: {  	_ =	shalt  }
0x7d: {  	_ =	shalt  }
0x7e: {  	_ =	shalt  }
0x7f: {  	_ =	shalt  }
0x80: {  	_ =	shalt  }
0x81: {  	_ =	shalt  }
0x82: {  	_ =	shalt  }
0x83: {  	_ =	shalt  }
0x84: {  	_ =	shalt  }
0x85: {  	_ =	shalt  }
0x86: {  	_ =	shalt  }
0x87: {  	_ =	shalt  }
.Lfunc_end0:
.L_simem_size_0:
called_computation_lowered:
.L_overlay_start_0:
0x88: {  	s2 =	sld [smem:$0x3FD9]  }
0x89: {  	s3 =	sld [smem:$0x3FFE];
	_ =	sdelay $0x1  }
0x8a: {  	s1 =	srdreg.scid  }
0x8b: {  	s0 =	sand.u32 $0x1, s1  }
0x8c: {  	s17 =	sshll.u32 s0, $0xA;
	s2 =	sadd.s32 s3, s2  }
0x8d: {  	s2 =	sadd.s32 s2, s17  }
0x8e: {  	[smem:$0x3FC4] =	sst s2  }
0x8f: {  	_ = 	snop  }
0x90: {  	s2 =	sld [smem:$0x3FC9]  }
0x91: {  	s18 =	sld [smem:$0x3FD0];
	(tm) =	ssettm $0x1  }
0x92: {  	s4 =	sld [smem:$0x3FFB];
	_ =	sdelay $0x3  }
0x93: {  	_ =	strace s4  }
0x94: {  	s4 =	sld [smem:$0x3FFC];
	_ =	sdelay $0x3  }
0x95: {  	_ =	strace s4  }
0x96: {  	s4 =	sld [smem:$0x3FFD];
	_ =	sdelay $0x3  }
0x97: {  	_ =	strace s4  }
0x98: {  	_ =	strace $0x8FFFFFFF  }
0x99: {  	s19 =	sld [smem:$0x3FDB];
	_ =	sdelay $0x1  }
0x9a: {  	s5 =	simm.s32 $_scs_section_size  }
0x9b: {  	s6 =	simm.s32 $_size__tile_overlayer_lowered;
	s7 =	simm.s32 $_tile_overlayer_lowered  }
0x9c: {  	s22 =	simm.s32 $0x1BFF;
	s21 =	sshll.u32 s7, $0x1;
	s4 =	sadd.s32 s5, s19  }
0x9d: {  	s8 =	simm.s32 $0x0;
	s20 =	sshll.u32 s6, $0x1;
	s6 =	sadd.s32 s21, s4  }
0x9e: {  	[timem:s8], [sflag:s22] =	dma.local [hbm:s6], s20  }
0x9f: {  	_ =	swait.ge [sflag:s22], s20  }
0xa0: {  	s5 =	ssub.s32 $0x0, s20;
	[sflag:s22] =	ssyncset.done $0x0  }
0xa1: {  	[sflag:s22] =	ssyncadd.s32 s5;
	_ =	sdelay $0x1  }
0xa2: {  	s23 =	simm.s32 $0x1B8B  }
0xa3: {  	_ =	swait.ge [sflag:s23], $0x1  }
0xa4: {  	[sflag:s23] =	ssyncset.done $0x0  }
0xa5: {  	s25 =	simm.s32 $0x1B8E;
	s24 =	sld [smem:$0x3FFE];
	[sflag:s23] =	ssyncadd.s32 $0xFFFFFFFF  }
0xa6: {  	s26 =	simm.s32 $execute0_lowered;
	[smem:$0x3FD2] =	sst s25  }
0xa7: {  	s6 =	sshll.u32 s26, $0x1;
	_ =	strace $0x80000046;
	[dreg:$0x1] =	wrdreg $0xFFFFFFFF  }
0xa8: {  	s28 =	simm.s32 $_size_execute0_lowered;
	s4 =	sadd.s32 s4, s6;
	[dreg:$0x0] =	wrdreg $0x0  }
0xa9: {  	s6 =	sshll.u32 s28, $0x1;
	[dreg:$0x2] =	wrdreg s4  }
0xaa: {  	[dreg:$0x3] =	wrdreg s6  }
0xab: {  	[dreg:$0x4] =	wrdreg $0xC0  }
0xac: {  	_ =	task [dreg:s8], $0x5FFFF  }
0xad: {  	[dreg:$0x1] =	wrdreg $0xFFFFFFFF  }
0xae: {  	[dreg:$0x0] =	wrdreg $0x60  }
0xaf: {  	[dreg:$0x2] =	wrdreg s24  }
0xb0: {  	[dreg:$0x3] =	wrdreg s2  }
0xb1: {  	[dreg:$0x4] =	wrdreg s18  }
0xb2: {  	[dreg:$0x5] =	wrdreg $0x0  }
0xb3: {  	[dreg:$0x6] =	wrdreg $0x9  }
0xb4: {  	_ =	task.clear_ibuf [dreg:s8], $0x7FFFF;
	_ =	strace $0x90000046  }
0xb5: {  	s29 =	simm.s32 $0x9;
	_ =	strace $0x80000048  }
0xb6: {  	_ =	swait.ge [sflag:s29], $0x1  }
0xb7: {  	[sflag:s29] =	ssyncadd.s32 $0xFFFFFFFF  }
0xb8: {  	_ =	strace $0x90000048  }
0xb9: {  	_ =	sfence  }
0xba: {  	s30 =	sld [smem:$0x0];
	_ =	sdelay $0x2  }
0xbb: {  	s31 =	sshll.u32 s1, $0xD;
	s1 =	sshrl.u32 s1, $0x2  }
0xbc: {  	s3 =	sand.u32 $0x4000, s31;
	s1 =	sadd.s32 s1, s30  }
0xbd: {  	s0 =	sor.u32 s3, s0;
	s1 =	sshll.u32 s1, $0x11  }
0xbe: {  	s0 =	sor.u32 s1, s0  }
0xbf: {  	s0 =	sadd.s32 $0x8F2B, s0  }
0xc0: {  	[sflag:s0] =	ssyncadd.remote.s32 $0x1  }
0xc1: {  	_ =	sfence.sel $0xFFFF  }
0xc2: {  	[dreg:$0x0] =	wrdreg $0xFFFFFFFF;
	(pc) =	sbr.abs _section_cstart, $3  }
0xc3: {  	[dreg:$0x1] =	wrdreg $0xFFFFFFFF  }
0xc4: {  	_ =	task.clear_ibuf [dreg:s8], $0x2FFFF;
	_ =	strace $0x9FFFFFFF  }
0xc5: {  	(tm) =	ssettm $0x7FFFFFFF  }
tec
execute0_lowered:
.L_overlay_start_1:
0x0: {  	(tag) =	ssettag $0x1  }
0x1: {  	s3 =	rddreg [dreg:$0x0]  }
0x2: {  	s5 =	rddreg [dreg:$0x1]  }
0x3: {  	s6 =	rddreg [dreg:$0x2]  }
0x4: {  	s1 =	rddreg [dreg:$0x3]  }
0x5: {  	s0 =	rddreg [dreg:$0x4];
	s2 =	simm.s32 $0x0  }
0x6: {  	s4 =	srdreg.scid;
	s9 =	stileid.u32;
	s12 =	simm.s32 $0x80  }
0x7: {  	s13 =	simm.s32 $0x2400;
	s14 =	simm.s32 $0x480;
	s15 =	simm.s32 $0x6400  }
0x8: {  	s16 =	simm.s32 $0x1;
	s17 =	simm.s32 $0x500;
	s18 =	simm.s32 $0xA400  }
0x9: {  	s19 =	simm.s32 $0x580;
	s20 =	simm.s32 $0xE400;
	s21 =	simm.s32 $0x2  }
0xa: {  	s22 =	simm.s32 $0x4;
	s23 =	simm.s32 $0x0;
	[smem:$0x7FF] =	sst s2  }
0xb: {  	s7 =	sand.u32 $0x1, s4;
	s10 =	sshll.u32 s9, $0xE;
	s3 =	sadd.s32 $0x800, s3  }
0xc: {  	s30 =	sshll.u32 s9, $0x12;
	p0 =	sne.s32 s9, $0x0;
	s9 =	simm.s32 $0x400  }
0xd: {  	_ =	strace $0x80000047;
	s4 =	ssub.s32 $0x2, s7;
	s11 =	sshll.u32 s7, $0xD  }
0xe: {  	s7 =	sshll.u32 s7, $0x11;
	s8 =	sshrl.u32 s4, $0x1;
	s29 =	sor.u32 s11, s10  }
0xf: {  	s11 =	sadd.s32 s30, s6;
	s8 =	ssub.s32 s4, s8;
	s10 =	sshrl.u32 s29, $0x3  }
0x10: {  	s4 =	sshll.u32 s29, $0x4;
	s31 =	sadd.s32 s7, s11;
	s11 =	simm.s32 $0x3  }
0x11: {  	s4 =	sadd.s32 s6, s4;
	s5 =	sadd.s32 s5, s10;
	s7 =	smax.u32 s8, $0x1  }
0x12: {  	s8 =	sadd.s32 $0x3000, s31;
	s10 =	sshrl.u32 @!p0 s1, $0x3;
	s6 =	sadd.s32 $0x1000, s4  }
.LBB2_1:
0x13: {  	[tilespmem:s9], [sflag:$0x3] =	stream.linear.gather [hbm4b:s5+s2], $0x2000, $0x38;
	[tilespmem:$0x12400] =	vst v63  }
0x14: {  	s24 =	simm.s32 @!p0 $0x1C05  }
0x15: {  	[spmem:s10], [sflag:s24] =	dma.local @!p0 [hbm:s3], $0x800  }
0x16: {  	s24 =	simm.s32 @!p0 $0x5  }
0x17: {  	_ =	swait.ge @!p0 [sflag:s24], $0x800  }
0x18: {  	[sflag:s24] =	ssyncset.done @!p0 $0x0  }
0x19: {  	[sflag:s24] =	ssyncadd.s32 @!p0 $0xFFFFF800  }
0x1a: {  	[bflag:$0x0] =	sbarrier.arrive $0xFFFF  }
0x1b: {  	_ =	swait.ge [sflag:s11], $0x2000  }
0x1c: {  	[sflag:s11] =	ssyncset.done $0x0  }
0x1d: {  	[sflag:s11] =	ssyncadd.s32 $0xFFFFE000  }
0x1e: {  	[tilespmem:s13], [sflag:$0x1] =	stream.indirect.gather [spmem:s1], $0x80, s9, s12, $0xb8;
	[tilespmem:$0x12400] =	vst v63  }
0x1f: {  	_ = 	snop  }
0x20: {  	[tilespmem:s15], [sflag:$0x1] =	stream.indirect.gather [spmem:s1], $0x80, s14, s12, $0xb8;
	[tilespmem:$0x12400] =	vst v63  }
0x21: {  	_ =	swait.ge [sflag:s16], $0x4000  }
0x22: {  	[sflag:s16] =	ssyncset.done $0x0  }
0x23: {  	[sflag:s16] =	ssyncadd.s32 $0xFFFFC000  }
0x24: {  	_ =	swait.ge [sflag:s16], $0x4000  }
0x25: {  	[sflag:s16] =	ssyncset.done $0x0  }
0x26: {  	[sflag:s16] =	ssyncadd.s32 $0xFFFFC000  }
0x27: {  	[hbm4b:s4+s2] =	stream.linear.scatter [tilespmem:s13], [sflag:$0x3], $0x8000, $0x38;
	[tilespmem:$0x12400] =	vst v63  }
0x28: {  	_ = 	snop  }
0x29: {  	[tilespmem:s18], [sflag:$0x2] =	stream.indirect.gather [spmem:s1], $0x80, s17, s12, $0xb8;
	[tilespmem:$0x12400] =	vst v63  }
0x2a: {  	_ = 	snop  }
0x2b: {  	[tilespmem:s20], [sflag:$0x2] =	stream.indirect.gather [spmem:s1], $0x80, s19, s12, $0xb8;
	[tilespmem:$0x12400] =	vst v63  }
0x2c: {  	_ =	swait.ge [sflag:s21], $0x4000  }
0x2d: {  	[sflag:s21] =	ssyncset.done $0x0  }
0x2e: {  	[sflag:s21] =	ssyncadd.s32 $0xFFFFC000  }
0x2f: {  	_ =	swait.ge [sflag:s21], $0x4000  }
0x30: {  	[sflag:s21] =	ssyncset.done $0x0  }
0x31: {  	[sflag:s21] =	ssyncadd.s32 $0xFFFFC000  }
0x32: {  	[hbm4b:s6+s2] =	stream.linear.scatter [tilespmem:s18], [sflag:$0x4], $0x8000, $0x38;
	[tilespmem:$0x12400] =	vst v63  }
0x33: {  	_ =	swait.ge [sflag:s11], $0x8000  }
0x34: {  	[sflag:s11] =	ssyncset.done $0x0  }
0x35: {  	s26 =	simm.s32 $0x600;
	[sflag:s11] =	ssyncadd.s32 $0xFFFF8000  }
0x36: {  	[tilespmem:s13], [sflag:$0x1] =	stream.indirect.gather [spmem:s1], $0x80, s26, s12, $0xb8;
	[tilespmem:$0x12400] =	vst v63  }
0x37: {  	s28 =	simm.s32 $0x680  }
0x38: {  	[tilespmem:s15], [sflag:$0x1] =	stream.indirect.gather [spmem:s1], $0x80, s28, s12, $0xb8;
	[tilespmem:$0x12400] =	vst v63  }
0x39: {  	_ =	swait.ge [sflag:s16], $0x4000  }
0x3a: {  	[sflag:s16] =	ssyncset.done $0x0  }
0x3b: {  	[sflag:s16] =	ssyncadd.s32 $0xFFFFC000  }
0x3c: {  	_ =	swait.ge [sflag:s16], $0x4000  }
0x3d: {  	[sflag:s16] =	ssyncset.done $0x0  }
0x3e: {  	s29 =	sadd.s32 $0xFFFFF000, s8;
	[sflag:s16] =	ssyncadd.s32 $0xFFFFC000  }
0x3f: {  	[hbm4b:s29+s2] =	stream.linear.scatter [tilespmem:s13], [sflag:$0x3], $0x8000, $0x38;
	[tilespmem:$0x12400] =	vst v63  }
0x40: {  	_ =	swait.ge [sflag:s22], $0x8000  }
0x41: {  	[sflag:s22] =	ssyncset.done $0x0  }
0x42: {  	s30 =	simm.s32 $0x700;
	[sflag:s22] =	ssyncadd.s32 $0xFFFF8000  }
0x43: {  	[tilespmem:s18], [sflag:$0x2] =	stream.indirect.gather [spmem:s1], $0x80, s30, s12, $0xb8;
	[tilespmem:$0x12400] =	vst v63  }
0x44: {  	s31 =	simm.s32 $0x780  }
0x45: {  	[tilespmem:s20], [sflag:$0x2] =	stream.indirect.gather [spmem:s1], $0x80, s31, s12, $0xb8;
	[tilespmem:$0x12400] =	vst v63  }
0x46: {  	_ =	swait.ge [sflag:s21], $0x4000  }
0x47: {  	[sflag:s21] =	ssyncset.done $0x0  }
0x48: {  	[sflag:s21] =	ssyncadd.s32 $0xFFFFC000  }
0x49: {  	_ =	swait.ge [sflag:s21], $0x4000  }
0x4a: {  	s25 =	sadd.s32 $0x2000, s8;
	[sflag:s21] =	ssyncset.done $0x0  }
0x4b: {  	s24 =	simm.s32 $0x800;
	s26 =	smov.u32 s8;
	[sflag:s21] =	ssyncadd.s32 $0xFFFFC000  }
.LBB2_2:
0x4c: {  	[hbm4b:s26+s2] =	stream.linear.scatter [tilespmem:s18], [sflag:$0x4], $0x8000, $0x38;
	[tilespmem:$0x12400] =	vst v63  }
0x4d: {  	s28 =	smov.u32 s24;
	s26 =	smov.u32 s25  }
0x4e: {  	p1 =	sne.s32 s24, $0x7000;
	s24 =	sadd.s32 $0x800, s24;
	_ =	swait.ge [sflag:s11], $0x8000  }
0x4f: {  	s28 =	sshra.s32 s28, $0x2;
	[sflag:s11] =	ssyncset.done $0x0  }
0x50: {  	s29 =	sadd.s32 $0x600, s28;
	[sflag:s11] =	ssyncadd.s32 $0xFFFF8000  }
0x51: {  	[tilespmem:s13], [sflag:$0x1] =	stream.indirect.gather [spmem:s1], $0x80, s29, s12, $0xb8;
	[tilespmem:$0x12400] =	vst v63  }
0x52: {  	s29 =	sadd.s32 $0x680, s28  }
0x53: {  	[tilespmem:s15], [sflag:$0x1] =	stream.indirect.gather [spmem:s1], $0x80, s29, s12, $0xb8;
	[tilespmem:$0x12400] =	vst v63  }
0x54: {  	_ =	swait.ge [sflag:s16], $0x4000  }
0x55: {  	[sflag:s16] =	ssyncset.done $0x0  }
0x56: {  	[sflag:s16] =	ssyncadd.s32 $0xFFFFC000  }
0x57: {  	_ =	swait.ge [sflag:s16], $0x4000  }
0x58: {  	[sflag:s16] =	ssyncset.done $0x0  }
0x59: {  	s29 =	sadd.s32 $0xFFFFF000, s25;
	[sflag:s16] =	ssyncadd.s32 $0xFFFFC000  }
0x5a: {  	[hbm4b:s29+s2] =	stream.linear.scatter [tilespmem:s13], [sflag:$0x3], $0x8000, $0x38;
	[tilespmem:$0x12400] =	vst v63  }
0x5b: {  	_ =	swait.ge [sflag:s22], $0x8000  }
0x5c: {  	[sflag:s22] =	ssyncset.done $0x0  }
0x5d: {  	s29 =	sadd.s32 $0x700, s28;
	[sflag:s22] =	ssyncadd.s32 $0xFFFF8000  }
0x5e: {  	[tilespmem:s18], [sflag:$0x2] =	stream.indirect.gather [spmem:s1], $0x80, s29, s12, $0xb8;
	[tilespmem:$0x12400] =	vst v63  }
0x5f: {  	s28 =	sadd.s32 $0x780, s28  }
0x60: {  	[tilespmem:s20], [sflag:$0x2] =	stream.indirect.gather [spmem:s1], $0x80, s28, s12, $0xb8;
	[tilespmem:$0x12400] =	vst v63  }
0x61: {  	_ =	swait.ge [sflag:s21], $0x4000  }
.Ltmp0:
0x62: {  	[sflag:s21] =	ssyncset.done $0x0;
	(pc) =	sbr.rel @p1 .LBB2_2-.Ltmp0, $4  }
0x63: {  	[sflag:s21] =	ssyncadd.s32 $0xFFFFC000  }
0x64: {  	_ =	swait.ge [sflag:s21], $0x4000  }
0x65: {  	[sflag:s21] =	ssyncset.done $0x0  }
0x66: {  	s25 =	sadd.s32 $0x2000, s25;
	[sflag:s21] =	ssyncadd.s32 $0xFFFFC000  }
0x67: {  	[hbm4b:s26+s2] =	stream.linear.scatter [tilespmem:s18], [sflag:$0x4], $0x8000, $0x38;
	[tilespmem:$0x12400] =	vst v63  }
0x68: {  	s23 =	sadd.s32 $0x1, s23  }
0x69: {  	_ =	swait.ge [sflag:s11], $0x8000;
	p1 =	sne.s32 s23, s7  }
.Ltmp1:
0x6a: {  	[sflag:s11] =	ssyncset.done $0x0;
	(pc) =	sbr.rel @p1 .LBB2_1-.Ltmp1, $4  }
0x6b: {  	[sflag:s11] =	ssyncadd.s32 $0xFFFF8000  }
0x6c: {  	_ =	swait.ge [sflag:s22], $0x8000  }
0x6d: {  	[sflag:s22] =	ssyncset.done $0x0  }
0x6e: {  	[sflag:s22] =	ssyncadd.s32 $0xFFFF8000  }
0x6f: {  	_ =	sfence.sel $0x180000  }
0x70: {  	[bflag:$0x0] =	sbarrier.arrive $0xFFFF  }
0x71: {  	_ =	strace $0x90000047  }
0x72: {  	s0 =	sadd.s32 @!p0 $0x100000, s0;
	[bflag:$0x2] =	sbarrier.arrive $0xFFFF  }
0x73: {  	[sflag:s0] =	ssyncadd.tile.s32 @!p0 $0x1;
	_ =	shalt  }
.Lfunc_end2:
_tile_overlayer_lowered:
.L_overlay_start_2:
0x74: {  	(tag) =	ssettag $0x2  }
0x75: {  	s0 =	rddreg [dreg:$0x0];
	s2 =	stileid.u32  }
0x76: {  	s1 =	rddreg [dreg:$0x1];
	p0 =	sne.s32 s2, $0x0  }
0x77: {  	s3 =	rddreg [dreg:$0x2];
	[bflag:$0x3] =	sbarrier.arrive $0xFFFF;
	s2 =	simm.s32 @!p0 $0x1C05  }
0x78: {  	[timem:s3], [sflag:s2] =	dma.local @!p0 [hbm:s0], s1  }
0x79: {  	s0 =	simm.s32 @!p0 $0x5  }
0x7a: {  	_ =	swait.ge @!p0 [sflag:s0], s1  }
0x7b: {  	s1 =	ssub.s32 @!p0 $0x0, s1;
	[sflag:s0] =	ssyncset.done @!p0 $0x0  }
0x7c: {  	[sflag:s0] =	ssyncadd.s32 @!p0 s1  }
0x7d: {  	[bflag:$0x3] =	sbarrier.arrive $0xFFFF  }
0x7e: {  	_ =	shalt  }

</sc_bundles>
